<compile_context>
chip_gen: v7x
topology: tpu7x:2x2x1
jax: 0.10.2.dev20260603
libtpu: 0.0.44.dev20260713+nightly
codegen_flags: <defaults>
</compile_context>

<pallas_src>
import functools

import jax
import jax.numpy as jnp
from jax import lax
from jax.experimental import pallas as pl
from jax.experimental.pallas import tpu as pltpu
from jax.experimental.pallas import tpu_sc as plsc

L = 16
NC = 2
NW = 24
ROWS = 16
D = 768
COLS = D // L


def _sc_embed_add(x23, table, idx):
    mesh = plsc.VectorSubcoreMesh(core_axis_name="c", subcore_axis_name="s")

    @functools.partial(
        pl.kernel,
        mesh=mesh,
        out_type=jax.ShapeDtypeStruct((1, NW * ROWS, D), jnp.float32),
        scratch_types=[
            pltpu.VMEM((ROWS,), jnp.int32),
            pltpu.VMEM((ROWS, D), jnp.float32),
            pltpu.VMEM((ROWS, D), jnp.float32),
            pltpu.SemaphoreType.DMA,
            pltpu.SemaphoreType.DMA,
        ],
    )
    def k(x_hbm, table_hbm, idx_hbm, out_hbm, idx_v, rows_v, x_v, sem_g, sem_x):
        wid = lax.axis_index("s") * NC + lax.axis_index("c")

        @pl.when(wid < NW)
        def _():
            base = wid * ROWS
            xcopy = pltpu.async_copy(x_hbm.at[0, pl.ds(base, ROWS)], x_v, sem_x)
            pltpu.sync_copy(idx_hbm.at[0, pl.ds(base, ROWS)], idx_v)
            gather = pltpu.async_copy(table_hbm.at[idx_v], rows_v, sem_g)
            xcopy.wait()
            gather.wait()

            def body(j, carry):
                sl = pl.ds(j * L, L)
                for r in range(ROWS):
                    plsc.addupdate(x_v.at[r, sl], rows_v[r, sl])
                return carry

            lax.fori_loop(0, COLS, body, 0)
            pltpu.sync_copy(x_v, out_hbm.at[0, pl.ds(base, ROWS)])

    return k(x23, table, idx)


def kernel(x23, table, idx):
    return _sc_embed_add(x23, table, idx.astype(jnp.int32))

# --- scband reference (transcript-rebuilt; emitter-appended) ---
"""Pipeline reference for scband-m-12283606467236 (READ-ONLY COPY).

The authoritative reference and input builder live on the scoring server;
editing this copy changes nothing except your own understanding.
"""

import jax, jax.numpy as jnp
import numpy as np

def setup_inputs(seed: int = 0) -> dict:
    key = jax.random.key(seed)
    k1, k2, k3 = jax.random.split(key, 3)
    x23 = jax.random.normal(k1, (1, 384, 768), dtype=jnp.float32)
    table = jax.random.normal(k2, (512, 768), dtype=jnp.float32)
    idx = jax.random.randint(k3, (1, 384), 0, 512, dtype=jnp.int64)
    return {"x23": x23, "table": table, "idx": idx}

def reference(x23, table, idx):
    # Embedding lookup with constant indices, then elementwise add
    x25 = jnp.take(table, idx, axis=0)  # [1, 384, 768]
    x26 = x23 + x25
    return x26

if __name__ == "__main__":
    import jax
    _d = setup_inputs()
    print(jax.jit(kernel)(*tuple(_d.values())))

</pallas_src>

<mosaic_0001>
#map = affine_map<(d0, d1) -> (0, 0, 0)>
#map1 = affine_map<(d0, d1) -> (0, 0)>
module attributes {stable_mosaic.version = 14 : i64} {
  func.func @k(%arg0: i32, %arg1: i32, %arg2: memref<1x384x768xf32, #tpu.memory_space<hbm>>, %arg3: memref<512x768xf32, #tpu.memory_space<hbm>>, %arg4: memref<1x384xi32, #tpu.memory_space<hbm>>, %arg5: memref<1x384x768xf32, #tpu.memory_space<hbm>>, %arg6: memref<16xi32, #tpu.memory_space<vmem>>, %arg7: memref<16x768xf32, #tpu.memory_space<vmem>>, %arg8: memref<16x768xf32, #tpu.memory_space<vmem>>, %arg9: memref<!tpu.dma_semaphore, #tpu.memory_space<semaphore_mem>>, %arg10: memref<!tpu.dma_semaphore, #tpu.memory_space<semaphore_mem>>) attributes {dimension_semantics = [#tpu.dimension_semantics<core_parallel>, #tpu.dimension_semantics<subcore_parallel>], iteration_bounds = array<i64: 2, 16>, scalar_prefetch = 0 : i64, scratch_operands = 5 : i64, tpu.core_type = #tpu.core_type<sc_vector_subcore>, window_params = [{transform_indices = #map}, {transform_indices = #map1}, {transform_indices = #map1}, {transform_indices = #map}]} {
    %mul3A = arith.constant 2 : i32
    %mul3A_0 = arith.muli %arg1, %mul3A : i32
    %add3A = arith.addi %mul3A_0, %arg0 : i32
    %lt3A = arith.constant 24 : i32
    %lt3A_1 = arith.cmpi slt, %add3A, %lt3A : i32
    %convert_element_type3A = arith.extui %lt3A_1 : i1 to i32
    %cond3A = arith.constant 0 : i32
    %cond3A_2 = arith.cmpi ne, %convert_element_type3A, %cond3A : i32
    scf.if %cond3A_2 {
      %mul3A_3 = arith.constant 16 : i32
      %mul3A_4 = arith.muli %add3A, %mul3A_3 : i32
      %dma_start3A = arith.constant 0 : i32
      %dma_start3A_5 = arith.constant 0 : i32
      %dma_start3A_6 = tpu.memref_slice %arg2[%dma_start3A, %mul3A_4, %dma_start3A_5] : memref<1x384x768xf32, #tpu.memory_space<hbm>> -> memref<1x16x768xf32, #tpu.memory_space<hbm>>
      %dma_start3A_7 = tpu.memref_squeeze %dma_start3A_6 : memref<1x16x768xf32, #tpu.memory_space<hbm>> -> memref<16x768xf32, #tpu.memory_space<hbm>>
      %dma_start3A_8 = arith.constant 0 : i32
      %dma_start3A_9 = tpu.memref_slice %arg2[%dma_start3A, %mul3A_4, %dma_start3A_8] : memref<1x384x768xf32, #tpu.memory_space<hbm>> -> memref<1x16x768xf32, #tpu.memory_space<hbm>>
      %dma_start3A_10 = tpu.memref_squeeze %dma_start3A_9 : memref<1x16x768xf32, #tpu.memory_space<hbm>> -> memref<16x768xf32, #tpu.memory_space<hbm>>
      tpu.enqueue_dma source(%dma_start3A_10 : memref<16x768xf32, #tpu.memory_space<hbm>>) target(%arg8 : memref<16x768xf32, #tpu.memory_space<vmem>>) target_semaphore(%arg10 : memref<!tpu.dma_semaphore, #tpu.memory_space<semaphore_mem>>)
      %run_scoped3A = arith.constant 0 : i32
      "tpu.region"() ({
        %run_scoped3A_29 = tpu.sem_alloc : memref<!tpu.dma_semaphore, #tpu.memory_space<semaphore_mem>>
        %dma_start3A_30 = tpu.memref_slice %arg4[%run_scoped3A, %mul3A_4] : memref<1x384xi32, #tpu.memory_space<hbm>> -> memref<1x16xi32, #tpu.memory_space<hbm>>
        %dma_start3A_31 = tpu.memref_squeeze %dma_start3A_30 : memref<1x16xi32, #tpu.memory_space<hbm>> -> memref<16xi32, #tpu.memory_space<hbm>>
        %dma_start3A_32 = tpu.memref_slice %arg4[%run_scoped3A, %mul3A_4] : memref<1x384xi32, #tpu.memory_space<hbm>> -> memref<1x16xi32, #tpu.memory_space<hbm>>
        %dma_start3A_33 = tpu.memref_squeeze %dma_start3A_32 : memref<1x16xi32, #tpu.memory_space<hbm>> -> memref<16xi32, #tpu.memory_space<hbm>>
        tpu.enqueue_dma source(%dma_start3A_33 : memref<16xi32, #tpu.memory_space<hbm>>) target(%arg6 : memref<16xi32, #tpu.memory_space<vmem>>) target_semaphore(%run_scoped3A_29 : memref<!tpu.dma_semaphore, #tpu.memory_space<semaphore_mem>>)
        %dma_wait3A_34 = tpu.memref_slice %arg4[%run_scoped3A, %mul3A_4] : memref<1x384xi32, #tpu.memory_space<hbm>> -> memref<1x16xi32, #tpu.memory_space<hbm>>
        %dma_wait3A_35 = tpu.memref_squeeze %dma_wait3A_34 : memref<1x16xi32, #tpu.memory_space<hbm>> -> memref<16xi32, #tpu.memory_space<hbm>>
        %dma_wait3A_36 = tpu.memref_slice %arg4[%run_scoped3A, %mul3A_4] : memref<1x384xi32, #tpu.memory_space<hbm>> -> memref<1x16xi32, #tpu.memory_space<hbm>>
        %dma_wait3A_37 = tpu.memref_squeeze %dma_wait3A_36 : memref<1x16xi32, #tpu.memory_space<hbm>> -> memref<16xi32, #tpu.memory_space<hbm>>
        tpu.wait_dma2 semaphore(%run_scoped3A_29 : memref<!tpu.dma_semaphore, #tpu.memory_space<semaphore_mem>>) src(%dma_wait3A_37 : memref<16xi32, #tpu.memory_space<hbm>>) dst(%arg6 : memref<16xi32, #tpu.memory_space<vmem>>)
        tpu.yield
      }) : () -> ()
      %dma_start3A_11 = arith.constant 0 : i32
      %dma_start3A_12 = arith.constant 0 : i32
      %dma_start3A_13 = tpu.memref_slice %arg3[%dma_start3A_11, %dma_start3A_12] : memref<512x768xf32, #tpu.memory_space<hbm>> -> memref<512x768xf32, #tpu.memory_space<hbm>>
      tpu.enqueue_indirect_dma source(%dma_start3A_13 : memref<512x768xf32, #tpu.memory_space<hbm>>) target(%arg7 : memref<16x768xf32, #tpu.memory_space<vmem>>) offsets(%arg6 : memref<16xi32, #tpu.memory_space<vmem>>) semaphore(%arg9 : memref<!tpu.dma_semaphore, #tpu.memory_space<semaphore_mem>>)
      %dma_wait3A = arith.constant 0 : i32
      %dma_wait3A_14 = arith.constant 0 : i32
      %dma_wait3A_15 = tpu.memref_slice %arg2[%dma_wait3A, %mul3A_4, %dma_wait3A_14] : memref<1x384x768xf32, #tpu.memory_space<hbm>> -> memref<1x16x768xf32, #tpu.memory_space<hbm>>
      %dma_wait3A_16 = tpu.memref_squeeze %dma_wait3A_15 : memref<1x16x768xf32, #tpu.memory_space<hbm>> -> memref<16x768xf32, #tpu.memory_space<hbm>>
      %dma_wait3A_17 = arith.constant 0 : i32
      %dma_wait3A_18 = tpu.memref_slice %arg2[%dma_wait3A, %mul3A_4, %dma_wait3A_17] : memref<1x384x768xf32, #tpu.memory_space<hbm>> -> memref<1x16x768xf32, #tpu.memory_space<hbm>>
      %dma_wait3A_19 = tpu.memref_squeeze %dma_wait3A_18 : memref<1x16x768xf32, #tpu.memory_space<hbm>> -> memref<16x768xf32, #tpu.memory_space<hbm>>
      tpu.wait_dma2 semaphore(%arg10 : memref<!tpu.dma_semaphore, #tpu.memory_space<semaphore_mem>>) src(%dma_wait3A_19 : memref<16x768xf32, #tpu.memory_space<hbm>>) dst(%arg8 : memref<16x768xf32, #tpu.memory_space<vmem>>)
      %dma_wait3A_20 = arith.constant 0 : i32
      %dma_wait3A_21 = arith.constant 0 : i32
      %dma_wait3A_22 = tpu.memref_slice %arg3[%dma_wait3A_20, %dma_wait3A_21] : memref<512x768xf32, #tpu.memory_space<hbm>> -> memref<512x768xf32, #tpu.memory_space<hbm>>
      tpu.wait_indirect_dma semaphore(%arg9 : memref<!tpu.dma_semaphore, #tpu.memory_space<semaphore_mem>>) src(%dma_wait3A_22 : memref<512x768xf32, #tpu.memory_space<hbm>>) dst(%arg7 : memref<16x768xf32, #tpu.memory_space<vmem>>)
      %scan3A = arith.constant 0 : i32
      %scan3A_23 = arith.constant 0 : i32
      %scan3A_24 = arith.constant 48 : i32
      %scan3A_25 = arith.addi %scan3A_23, %scan3A_24 : i32
      %scan3A_26 = arith.constant 1 : i32
      scf.for %scan3A_29 = %scan3A_23 to %scan3A_25 step %scan3A_26  : i32 {
        %mul3A_30 = arith.constant 16 : i32
        %mul3A_31 = arith.muli %scan3A_29, %mul3A_30 : i32
        %get3A = arith.constant 0 : i32
        %get3A_32 = arith.index_cast %get3A : i32 to index
        %get3A_33 = arith.index_cast %mul3A_31 : i32 to index
        %get3A_34 = tpu.vector_load %arg7[%get3A_32, %get3A_33] {strides = array<i32>} : memref<16x768xf32, #tpu.memory_space<vmem>>, vector<1x16xf32>,
        %get3A_35 = vector.shape_cast %get3A_34 : vector<1x16xf32> to vector<16xf32>
        %swap3A = arith.constant 0 : i32
        %swap3A_36 = arith.index_cast %swap3A : i32 to index
        %swap3A_37 = arith.index_cast %mul3A_31 : i32 to index
        %swap3A_38 = tpu.vector_load %arg8[%swap3A_36, %swap3A_37] {strides = array<i32>} : memref<16x768xf32, #tpu.memory_space<vmem>>, vector<1x16xf32>,
        %swap3A_39 = vector.shape_cast %swap3A_38 : vector<1x16xf32> to vector<16xf32>
        %swap3A_40 = vector.shape_cast %get3A_35 : vector<16xf32> to vector<1x16xf32>
        tpu.vector_store %arg8[%swap3A_36, %swap3A_37], %swap3A_40 {add = true, strides = array<i32>} : memref<16x768xf32, #tpu.memory_space<vmem>>, vector<1x16xf32>,
        %get3A_41 = arith.constant 1 : i32
        %get3A_42 = arith.index_cast %get3A_41 : i32 to index
        %get3A_43 = arith.index_cast %mul3A_31 : i32 to index
        %get3A_44 = tpu.vector_load %arg7[%get3A_42, %get3A_43] {strides = array<i32>} : memref<16x768xf32, #tpu.memory_space<vmem>>, vector<1x16xf32>,
        %get3A_45 = vector.shape_cast %get3A_44 : vector<1x16xf32> to vector<16xf32>
        %swap3A_46 = arith.constant 1 : i32
        %swap3A_47 = arith.index_cast %swap3A_46 : i32 to index
        %swap3A_48 = arith.index_cast %mul3A_31 : i32 to index
        %swap3A_49 = tpu.vector_load %arg8[%swap3A_47, %swap3A_48] {strides = array<i32>} : memref<16x768xf32, #tpu.memory_space<vmem>>, vector<1x16xf32>,
        %swap3A_50 = vector.shape_cast %swap3A_49 : vector<1x16xf32> to vector<16xf32>
        %swap3A_51 = vector.shape_cast %get3A_45 : vector<16xf32> to vector<1x16xf32>
        tpu.vector_store %arg8[%swap3A_47, %swap3A_48], %swap3A_51 {add = true, strides = array<i32>} : memref<16x768xf32, #tpu.memory_space<vmem>>, vector<1x16xf32>,
        %get3A_52 = arith.constant 2 : i32
        %get3A_53 = arith.index_cast %get3A_52 : i32 to index
        %get3A_54 = arith.index_cast %mul3A_31 : i32 to index
        %get3A_55 = tpu.vector_load %arg7[%get3A_53, %get3A_54] {strides = array<i32>} : memref<16x768xf32, #tpu.memory_space<vmem>>, vector<1x16xf32>,
        %get3A_56 = vector.shape_cast %get3A_55 : vector<1x16xf32> to vector<16xf32>
        %swap3A_57 = arith.constant 2 : i32
        %swap3A_58 = arith.index_cast %swap3A_57 : i32 to index
        %swap3A_59 = arith.index_cast %mul3A_31 : i32 to index
        %swap3A_60 = tpu.vector_load %arg8[%swap3A_58, %swap3A_59] {strides = array<i32>} : memref<16x768xf32, #tpu.memory_space<vmem>>, vector<1x16xf32>,
        %swap3A_61 = vector.shape_cast %swap3A_60 : vector<1x16xf32> to vector<16xf32>
        %swap3A_62 = vector.shape_cast %get3A_56 : vector<16xf32> to vector<1x16xf32>
        tpu.vector_store %arg8[%swap3A_58, %swap3A_59], %swap3A_62 {add = true, strides = array<i32>} : memref<16x768xf32, #tpu.memory_space<vmem>>, vector<1x16xf32>,
        %get3A_63 = arith.constant 3 : i32
        %get3A_64 = arith.index_cast %get3A_63 : i32 to index
        %get3A_65 = arith.index_cast %mul3A_31 : i32 to index
        %get3A_66 = tpu.vector_load %arg7[%get3A_64, %get3A_65] {strides = array<i32>} : memref<16x768xf32, #tpu.memory_space<vmem>>, vector<1x16xf32>,
        %get3A_67 = vector.shape_cast %get3A_66 : vector<1x16xf32> to vector<16xf32>
        %swap3A_68 = arith.constant 3 : i32
        %swap3A_69 = arith.index_cast %swap3A_68 : i32 to index
        %swap3A_70 = arith.index_cast %mul3A_31 : i32 to index
        %swap3A_71 = tpu.vector_load %arg8[%swap3A_69, %swap3A_70] {strides = array<i32>} : memref<16x768xf32, #tpu.memory_space<vmem>>, vector<1x16xf32>,
        %swap3A_72 = vector.shape_cast %swap3A_71 : vector<1x16xf32> to vector<16xf32>
        %swap3A_73 = vector.shape_cast %get3A_67 : vector<16xf32> to vector<1x16xf32>
        tpu.vector_store %arg8[%swap3A_69, %swap3A_70], %swap3A_73 {add = true, strides = array<i32>} : memref<16x768xf32, #tpu.memory_space<vmem>>, vector<1x16xf32>,
        %get3A_74 = arith.constant 4 : i32
        %get3A_75 = arith.index_cast %get3A_74 : i32 to index
        %get3A_76 = arith.index_cast %mul3A_31 : i32 to index
        %get3A_77 = tpu.vector_load %arg7[%get3A_75, %get3A_76] {strides = array<i32>} : memref<16x768xf32, #tpu.memory_space<vmem>>, vector<1x16xf32>,
        %get3A_78 = vector.shape_cast %get3A_77 : vector<1x16xf32> to vector<16xf32>
        %swap3A_79 = arith.constant 4 : i32
        %swap3A_80 = arith.index_cast %swap3A_79 : i32 to index
        %swap3A_81 = arith.index_cast %mul3A_31 : i32 to index
        %swap3A_82 = tpu.vector_load %arg8[%swap3A_80, %swap3A_81] {strides = array<i32>} : memref<16x768xf32, #tpu.memory_space<vmem>>, vector<1x16xf32>,
        %swap3A_83 = vector.shape_cast %swap3A_82 : vector<1x16xf32> to vector<16xf32>
        %swap3A_84 = vector.shape_cast %get3A_78 : vector<16xf32> to vector<1x16xf32>
        tpu.vector_store %arg8[%swap3A_80, %swap3A_81], %swap3A_84 {add = true, strides = array<i32>} : memref<16x768xf32, #tpu.memory_space<vmem>>, vector<1x16xf32>,
        %get3A_85 = arith.constant 5 : i32
        %get3A_86 = arith.index_cast %get3A_85 : i32 to index
        %get3A_87 = arith.index_cast %mul3A_31 : i32 to index
        %get3A_88 = tpu.vector_load %arg7[%get3A_86, %get3A_87] {strides = array<i32>} : memref<16x768xf32, #tpu.memory_space<vmem>>, vector<1x16xf32>,
        %get3A_89 = vector.shape_cast %get3A_88 : vector<1x16xf32> to vector<16xf32>
        %swap3A_90 = arith.constant 5 : i32
        %swap3A_91 = arith.index_cast %swap3A_90 : i32 to index
        %swap3A_92 = arith.index_cast %mul3A_31 : i32 to index
        %swap3A_93 = tpu.vector_load %arg8[%swap3A_91, %swap3A_92] {strides = array<i32>} : memref<16x768xf32, #tpu.memory_space<vmem>>, vector<1x16xf32>,
        %swap3A_94 = vector.shape_cast %swap3A_93 : vector<1x16xf32> to vector<16xf32>
        %swap3A_95 = vector.shape_cast %get3A_89 : vector<16xf32> to vector<1x16xf32>
        tpu.vector_store %arg8[%swap3A_91, %swap3A_92], %swap3A_95 {add = true, strides = array<i32>} : memref<16x768xf32, #tpu.memory_space<vmem>>, vector<1x16xf32>,
        %get3A_96 = arith.constant 6 : i32
        %get3A_97 = arith.index_cast %get3A_96 : i32 to index
        %get3A_98 = arith.index_cast %mul3A_31 : i32 to index
        %get3A_99 = tpu.vector_load %arg7[%get3A_97, %get3A_98] {strides = array<i32>} : memref<16x768xf32, #tpu.memory_space<vmem>>, vector<1x16xf32>,
        %get3A_100 = vector.shape_cast %get3A_99 : vector<1x16xf32> to vector<16xf32>
        %swap3A_101 = arith.constant 6 : i32
        %swap3A_102 = arith.index_cast %swap3A_101 : i32 to index
        %swap3A_103 = arith.index_cast %mul3A_31 : i32 to index
        %swap3A_104 = tpu.vector_load %arg8[%swap3A_102, %swap3A_103] {strides = array<i32>} : memref<16x768xf32, #tpu.memory_space<vmem>>, vector<1x16xf32>,
        %swap3A_105 = vector.shape_cast %swap3A_104 : vector<1x16xf32> to vector<16xf32>
        %swap3A_106 = vector.shape_cast %get3A_100 : vector<16xf32> to vector<1x16xf32>
        tpu.vector_store %arg8[%swap3A_102, %swap3A_103], %swap3A_106 {add = true, strides = array<i32>} : memref<16x768xf32, #tpu.memory_space<vmem>>, vector<1x16xf32>,
        %get3A_107 = arith.constant 7 : i32
        %get3A_108 = arith.index_cast %get3A_107 : i32 to index
        %get3A_109 = arith.index_cast %mul3A_31 : i32 to index
        %get3A_110 = tpu.vector_load %arg7[%get3A_108, %get3A_109] {strides = array<i32>} : memref<16x768xf32, #tpu.memory_space<vmem>>, vector<1x16xf32>,
        %get3A_111 = vector.shape_cast %get3A_110 : vector<1x16xf32> to vector<16xf32>
        %swap3A_112 = arith.constant 7 : i32
        %swap3A_113 = arith.index_cast %swap3A_112 : i32 to index
        %swap3A_114 = arith.index_cast %mul3A_31 : i32 to index
        %swap3A_115 = tpu.vector_load %arg8[%swap3A_113, %swap3A_114] {strides = array<i32>} : memref<16x768xf32, #tpu.memory_space<vmem>>, vector<1x16xf32>,
        %swap3A_116 = vector.shape_cast %swap3A_115 : vector<1x16xf32> to vector<16xf32>
        %swap3A_117 = vector.shape_cast %get3A_111 : vector<16xf32> to vector<1x16xf32>
        tpu.vector_store %arg8[%swap3A_113, %swap3A_114], %swap3A_117 {add = true, strides = array<i32>} : memref<16x768xf32, #tpu.memory_space<vmem>>, vector<1x16xf32>,
        %get3A_118 = arith.constant 8 : i32
        %get3A_119 = arith.index_cast %get3A_118 : i32 to index
        %get3A_120 = arith.index_cast %mul3A_31 : i32 to index
        %get3A_121 = tpu.vector_load %arg7[%get3A_119, %get3A_120] {strides = array<i32>} : memref<16x768xf32, #tpu.memory_space<vmem>>, vector<1x16xf32>,
        %get3A_122 = vector.shape_cast %get3A_121 : vector<1x16xf32> to vector<16xf32>
        %swap3A_123 = arith.constant 8 : i32
        %swap3A_124 = arith.index_cast %swap3A_123 : i32 to index
        %swap3A_125 = arith.index_cast %mul3A_31 : i32 to index
        %swap3A_126 = tpu.vector_load %arg8[%swap3A_124, %swap3A_125] {strides = array<i32>} : memref<16x768xf32, #tpu.memory_space<vmem>>, vector<1x16xf32>,
        %swap3A_127 = vector.shape_cast %swap3A_126 : vector<1x16xf32> to vector<16xf32>
        %swap3A_128 = vector.shape_cast %get3A_122 : vector<16xf32> to vector<1x16xf32>
        tpu.vector_store %arg8[%swap3A_124, %swap3A_125], %swap3A_128 {add = true, strides = array<i32>} : memref<16x768xf32, #tpu.memory_space<vmem>>, vector<1x16xf32>,
        %get3A_129 = arith.constant 9 : i32
        %get3A_130 = arith.index_cast %get3A_129 : i32 to index
        %get3A_131 = arith.index_cast %mul3A_31 : i32 to index
        %get3A_132 = tpu.vector_load %arg7[%get3A_130, %get3A_131] {strides = array<i32>} : memref<16x768xf32, #tpu.memory_space<vmem>>, vector<1x16xf32>,
        %get3A_133 = vector.shape_cast %get3A_132 : vector<1x16xf32> to vector<16xf32>
        %swap3A_134 = arith.constant 9 : i32
        %swap3A_135 = arith.index_cast %swap3A_134 : i32 to index
        %swap3A_136 = arith.index_cast %mul3A_31 : i32 to index
        %swap3A_137 = tpu.vector_load %arg8[%swap3A_135, %swap3A_136] {strides = array<i32>} : memref<16x768xf32, #tpu.memory_space<vmem>>, vector<1x16xf32>,
        %swap3A_138 = vector.shape_cast %swap3A_137 : vector<1x16xf32> to vector<16xf32>
        %swap3A_139 = vector.shape_cast %get3A_133 : vector<16xf32> to vector<1x16xf32>
        tpu.vector_store %arg8[%swap3A_135, %swap3A_136], %swap3A_139 {add = true, strides = array<i32>} : memref<16x768xf32, #tpu.memory_space<vmem>>, vector<1x16xf32>,
        %get3A_140 = arith.constant 10 : i32
        %get3A_141 = arith.index_cast %get3A_140 : i32 to index
        %get3A_142 = arith.index_cast %mul3A_31 : i32 to index
        %get3A_143 = tpu.vector_load %arg7[%get3A_141, %get3A_142] {strides = array<i32>} : memref<16x768xf32, #tpu.memory_space<vmem>>, vector<1x16xf32>,
        %get3A_144 = vector.shape_cast %get3A_143 : vector<1x16xf32> to vector<16xf32>
        %swap3A_145 = arith.constant 10 : i32
        %swap3A_146 = arith.index_cast %swap3A_145 : i32 to index
        %swap3A_147 = arith.index_cast %mul3A_31 : i32 to index
        %swap3A_148 = tpu.vector_load %arg8[%swap3A_146, %swap3A_147] {strides = array<i32>} : memref<16x768xf32, #tpu.memory_space<vmem>>, vector<1x16xf32>,
        %swap3A_149 = vector.shape_cast %swap3A_148 : vector<1x16xf32> to vector<16xf32>
        %swap3A_150 = vector.shape_cast %get3A_144 : vector<16xf32> to vector<1x16xf32>
        tpu.vector_store %arg8[%swap3A_146, %swap3A_147], %swap3A_150 {add = true, strides = array<i32>} : memref<16x768xf32, #tpu.memory_space<vmem>>, vector<1x16xf32>,
        %get3A_151 = arith.constant 11 : i32
        %get3A_152 = arith.index_cast %get3A_151 : i32 to index
        %get3A_153 = arith.index_cast %mul3A_31 : i32 to index
        %get3A_154 = tpu.vector_load %arg7[%get3A_152, %get3A_153] {strides = array<i32>} : memref<16x768xf32, #tpu.memory_space<vmem>>, vector<1x16xf32>,
        %get3A_155 = vector.shape_cast %get3A_154 : vector<1x16xf32> to vector<16xf32>
        %swap3A_156 = arith.constant 11 : i32
        %swap3A_157 = arith.index_cast %swap3A_156 : i32 to index
        %swap3A_158 = arith.index_cast %mul3A_31 : i32 to index
        %swap3A_159 = tpu.vector_load %arg8[%swap3A_157, %swap3A_158] {strides = array<i32>} : memref<16x768xf32, #tpu.memory_space<vmem>>, vector<1x16xf32>,
        %swap3A_160 = vector.shape_cast %swap3A_159 : vector<1x16xf32> to vector<16xf32>
        %swap3A_161 = vector.shape_cast %get3A_155 : vector<16xf32> to vector<1x16xf32>
        tpu.vector_store %arg8[%swap3A_157, %swap3A_158], %swap3A_161 {add = true, strides = array<i32>} : memref<16x768xf32, #tpu.memory_space<vmem>>, vector<1x16xf32>,
        %get3A_162 = arith.constant 12 : i32
        %get3A_163 = arith.index_cast %get3A_162 : i32 to index
        %get3A_164 = arith.index_cast %mul3A_31 : i32 to index
        %get3A_165 = tpu.vector_load %arg7[%get3A_163, %get3A_164] {strides = array<i32>} : memref<16x768xf32, #tpu.memory_space<vmem>>, vector<1x16xf32>,
        %get3A_166 = vector.shape_cast %get3A_165 : vector<1x16xf32> to vector<16xf32>
        %swap3A_167 = arith.constant 12 : i32
        %swap3A_168 = arith.index_cast %swap3A_167 : i32 to index
        %swap3A_169 = arith.index_cast %mul3A_31 : i32 to index
        %swap3A_170 = tpu.vector_load %arg8[%swap3A_168, %swap3A_169] {strides = array<i32>} : memref<16x768xf32, #tpu.memory_space<vmem>>, vector<1x16xf32>,
        %swap3A_171 = vector.shape_cast %swap3A_170 : vector<1x16xf32> to vector<16xf32>
        %swap3A_172 = vector.shape_cast %get3A_166 : vector<16xf32> to vector<1x16xf32>
        tpu.vector_store %arg8[%swap3A_168, %swap3A_169], %swap3A_172 {add = true, strides = array<i32>} : memref<16x768xf32, #tpu.memory_space<vmem>>, vector<1x16xf32>,
        %get3A_173 = arith.constant 13 : i32
        %get3A_174 = arith.index_cast %get3A_173 : i32 to index
        %get3A_175 = arith.index_cast %mul3A_31 : i32 to index
        %get3A_176 = tpu.vector_load %arg7[%get3A_174, %get3A_175] {strides = array<i32>} : memref<16x768xf32, #tpu.memory_space<vmem>>, vector<1x16xf32>,
        %get3A_177 = vector.shape_cast %get3A_176 : vector<1x16xf32> to vector<16xf32>
        %swap3A_178 = arith.constant 13 : i32
        %swap3A_179 = arith.index_cast %swap3A_178 : i32 to index
        %swap3A_180 = arith.index_cast %mul3A_31 : i32 to index
        %swap3A_181 = tpu.vector_load %arg8[%swap3A_179, %swap3A_180] {strides = array<i32>} : memref<16x768xf32, #tpu.memory_space<vmem>>, vector<1x16xf32>,
        %swap3A_182 = vector.shape_cast %swap3A_181 : vector<1x16xf32> to vector<16xf32>
        %swap3A_183 = vector.shape_cast %get3A_177 : vector<16xf32> to vector<1x16xf32>
        tpu.vector_store %arg8[%swap3A_179, %swap3A_180], %swap3A_183 {add = true, strides = array<i32>} : memref<16x768xf32, #tpu.memory_space<vmem>>, vector<1x16xf32>,
        %get3A_184 = arith.constant 14 : i32
        %get3A_185 = arith.index_cast %get3A_184 : i32 to index
        %get3A_186 = arith.index_cast %mul3A_31 : i32 to index
        %get3A_187 = tpu.vector_load %arg7[%get3A_185, %get3A_186] {strides = array<i32>} : memref<16x768xf32, #tpu.memory_space<vmem>>, vector<1x16xf32>,
        %get3A_188 = vector.shape_cast %get3A_187 : vector<1x16xf32> to vector<16xf32>
        %swap3A_189 = arith.constant 14 : i32
        %swap3A_190 = arith.index_cast %swap3A_189 : i32 to index
        %swap3A_191 = arith.index_cast %mul3A_31 : i32 to index
        %swap3A_192 = tpu.vector_load %arg8[%swap3A_190, %swap3A_191] {strides = array<i32>} : memref<16x768xf32, #tpu.memory_space<vmem>>, vector<1x16xf32>,
        %swap3A_193 = vector.shape_cast %swap3A_192 : vector<1x16xf32> to vector<16xf32>
        %swap3A_194 = vector.shape_cast %get3A_188 : vector<16xf32> to vector<1x16xf32>
        tpu.vector_store %arg8[%swap3A_190, %swap3A_191], %swap3A_194 {add = true, strides = array<i32>} : memref<16x768xf32, #tpu.memory_space<vmem>>, vector<1x16xf32>,
        %get3A_195 = arith.constant 15 : i32
        %get3A_196 = arith.index_cast %get3A_195 : i32 to index
        %get3A_197 = arith.index_cast %mul3A_31 : i32 to index
        %get3A_198 = tpu.vector_load %arg7[%get3A_196, %get3A_197] {strides = array<i32>} : memref<16x768xf32, #tpu.memory_space<vmem>>, vector<1x16xf32>,
        %get3A_199 = vector.shape_cast %get3A_198 : vector<1x16xf32> to vector<16xf32>
        %swap3A_200 = arith.constant 15 : i32
        %swap3A_201 = arith.index_cast %swap3A_200 : i32 to index
        %swap3A_202 = arith.index_cast %mul3A_31 : i32 to index
        %swap3A_203 = tpu.vector_load %arg8[%swap3A_201, %swap3A_202] {strides = array<i32>} : memref<16x768xf32, #tpu.memory_space<vmem>>, vector<1x16xf32>,
        %swap3A_204 = vector.shape_cast %swap3A_203 : vector<1x16xf32> to vector<16xf32>
        %swap3A_205 = vector.shape_cast %get3A_199 : vector<16xf32> to vector<1x16xf32>
        tpu.vector_store %arg8[%swap3A_201, %swap3A_202], %swap3A_205 {add = true, strides = array<i32>} : memref<16x768xf32, #tpu.memory_space<vmem>>, vector<1x16xf32>,
      }
      %scan3A_27 = arith.constant 48 : i32
      %run_scoped3A_28 = arith.constant 0 : i32
      "tpu.region"() ({
        %run_scoped3A_29 = tpu.sem_alloc : memref<!tpu.dma_semaphore, #tpu.memory_space<semaphore_mem>>
        %dma_start3A_30 = arith.constant 0 : i32
        %dma_start3A_31 = tpu.memref_slice %arg5[%run_scoped3A_28, %mul3A_4, %dma_start3A_30] : memref<1x384x768xf32, #tpu.memory_space<hbm>> -> memref<1x16x768xf32, #tpu.memory_space<hbm>>
        %dma_start3A_32 = tpu.memref_squeeze %dma_start3A_31 : memref<1x16x768xf32, #tpu.memory_space<hbm>> -> memref<16x768xf32, #tpu.memory_space<hbm>>
        %dma_start3A_33 = arith.constant 0 : i32
        %dma_start3A_34 = tpu.memref_slice %arg5[%run_scoped3A_28, %mul3A_4, %dma_start3A_33] : memref<1x384x768xf32, #tpu.memory_space<hbm>> -> memref<1x16x768xf32, #tpu.memory_space<hbm>>
        %dma_start3A_35 = tpu.memref_squeeze %dma_start3A_34 : memref<1x16x768xf32, #tpu.memory_space<hbm>> -> memref<16x768xf32, #tpu.memory_space<hbm>>
        tpu.enqueue_dma source(%arg8 : memref<16x768xf32, #tpu.memory_space<vmem>>) target(%dma_start3A_35 : memref<16x768xf32, #tpu.memory_space<hbm>>) target_semaphore(%run_scoped3A_29 : memref<!tpu.dma_semaphore, #tpu.memory_space<semaphore_mem>>)
        %dma_wait3A_36 = arith.constant 0 : i32
        %dma_wait3A_37 = tpu.memref_slice %arg5[%run_scoped3A_28, %mul3A_4, %dma_wait3A_36] : memref<1x384x768xf32, #tpu.memory_space<hbm>> -> memref<1x16x768xf32, #tpu.memory_space<hbm>>
        %dma_wait3A_38 = tpu.memref_squeeze %dma_wait3A_37 : memref<1x16x768xf32, #tpu.memory_space<hbm>> -> memref<16x768xf32, #tpu.memory_space<hbm>>
        %dma_wait3A_39 = arith.constant 0 : i32
        %dma_wait3A_40 = tpu.memref_slice %arg5[%run_scoped3A_28, %mul3A_4, %dma_wait3A_39] : memref<1x384x768xf32, #tpu.memory_space<hbm>> -> memref<1x16x768xf32, #tpu.memory_space<hbm>>
        %dma_wait3A_41 = tpu.memref_squeeze %dma_wait3A_40 : memref<1x16x768xf32, #tpu.memory_space<hbm>> -> memref<16x768xf32, #tpu.memory_space<hbm>>
        tpu.wait_dma2 semaphore(%run_scoped3A_29 : memref<!tpu.dma_semaphore, #tpu.memory_space<semaphore_mem>>) src(%arg8 : memref<16x768xf32, #tpu.memory_space<vmem>>) dst(%dma_wait3A_41 : memref<16x768xf32, #tpu.memory_space<hbm>>)
        tpu.yield
      }) : () -> ()
    } else {
    }
    return
  }
}

</mosaic_0001>

<sc_bundles>
// kernel: kernel.3.cloned.1.call-start
scs
__scs_entry_jumppad:
0x0: {  	(pc) =	sbr.rel $0x88, $3  }
0x1: {  	(tag) =	ssettag $0x0;
	lr =	simm.s32 $0x1  }
0x2: {  	[smem:$0x3F9E] =	sst lr;
	_ =	strace $0xD0000000  }
0x3: {  	_ = 	snop  }
0x4: {  	_ = 	snop  }
0x5: {  	_ = 	snop  }
0x6: {  	_ = 	snop  }
0x7: {  	_ = 	snop  }
__scs_overlays_trampoline_lowered:
0x8: {  	[smem:$0x3FAD] =	sst s0  }
0x9: {  	[smem:$0x3FAE] =	sst s1  }
0xa: {  	[smem:$0x3FAF] =	sst s2  }
0xb: {  	[smem:$0x3FB0] =	sst s3  }
0xc: {  	[smem:$0x3FB1] =	sst s4  }
0xd: {  	[smem:$0x3FB2] =	sst s5  }
0xe: {  	[smem:$0x3FB3] =	sst s6  }
0xf: {  	[smem:$0x3FB4] =	sst s7  }
0x10: {  	[smem:$0x3FB5] =	sst s8  }
0x11: {  	[smem:$0x3FB6] =	sst s9;
	s0 =	simm.s32 @!p0 $0x0  }
0x12: {  	s1 =	sld [smem:$0x3F9C];
	s0 =	simm.s32 @p0 $0x1  }
0x13: {  	[smem:$0x3FB7] =	sst s0;
	s0 =	simm.s32 @!p1 $0x0  }
0x14: {  	s2 =	sld [smem:$0x3F9B];
	s0 =	simm.s32 @p1 $0x1  }
0x15: {  	[smem:$0x3FB8] =	sst s0;
	s0 =	simm.s32 @!p2 $0x0  }
0x16: {  	s3 =	sld [smem:$0x3FDB];
	s0 =	simm.s32 @p2 $0x1  }
0x17: {  	s4 =	simm.s32 $0x1BF5;
	[smem:$0x3FBA] =	sst s0  }
0x18: {  	s0 =	sld [smem:$0x3F9D];
	_ =	swait.ge [sflag:s4], $0x0  }
0x19: {  	s7 =	sld [smem:$0x3F9E]  }
0x1a: {  	s8 =	sadd.s32 $0xFFFFE003, lr  }
0x1b: {  	s9 =	sadd.s32 $0xFFFFFEF7, lr;
	s5 =	simm.s32 $0xFFFFFFFF;
	p2 =	slt.u32 s8, $0xFFFFF086  }
0x1c: {  	p1 =	slt.u32 s9, $0xF7A;
	s5 =	simm.s32 @!p2 $0x0  }
0x1d: {  	s5 =	simm.s32 @p1 $0x1;
	p0 =	seq.s32 s7, s2  }
0x1e: {  	s7 =	smul.u32 @!p0 $0xF7A, s2;
	p2 =	seq.s32 @!p0 s5, $0x0  }
0x1f: {  	s9 =	smul.u32 $0xF7A, s1;
	s8 =	simm.s32 @!p0 $0x1BF5;
	p2 =	por !p2, p0  }
0x20: {  	[sflag:s8] =	ssyncset.s32 @!p0 $0xFFFFF086;
	s6 =	sadd.s32 @!p0 s3, s7;
	s7 =	simm.s32 @!p0 $0x108  }
0x21: {  	s3 =	sadd.s32 s3, s9;
	s6 =	sadd.s32 @!p0 $0x88, s6;
	s7 =	simm.s32 @p2 $0x1082  }
0x22: {  	[simem:s7], [sflag:s8] =	dma.local @!p0 [hbm:s6], $0xF7A  }
0x23: {  	s9 =	sor.u32 $0xD0000000, s2;
	s6 =	simm.s32 $0x108;
	_ =	swait.ge @!p0 [sflag:s8], $0x0  }
0x24: {  	s3 =	sadd.s32 $0x88, s3;
	s6 =	simm.s32 @!p1 $0x1082;
	[sflag:s4] =	ssyncset.s32 $0xFFFFF086  }
0x25: {  	[simem:s6], [sflag:s4] =	dma.local [hbm:s3], $0xF7A  }
0x26: {  	[smem:$0x3F9E] =	sst s1;
	(tag) =	ssettag s2;
	_ =	strace s9  }
0x27: {  	s1 =	sld [smem:$0x3FAE]  }
0x28: {  	s2 =	sld [smem:$0x3FAF]  }
0x29: {  	s4 =	sld [smem:$0x3FB1]  }
0x2a: {  	p0 =	seq.s32 s5, $0x0;
	s5 =	sld [smem:$0x3FB2]  }
0x2b: {  	s6 =	sld [smem:$0x3FB3]  }
0x2c: {  	s7 =	sld [smem:$0x3FB4]  }
0x2d: {  	s3 =	simm.s32 $0x108;
	s8 =	sld [smem:$0x3FB5]  }
0x2e: {  	s3 =	simm.s32 @!p0 $0x1082;
	s9 =	sld [smem:$0x3FB6]  }
0x2f: {  	lr =	sadd.s32 s0, s3;
	s0 =	sld [smem:$0x3FAD]  }
0x30: {  	s3 =	sld [smem:$0x3FB0]  }
0x31: {  	[smem:$0x3FB9] =	sst s10  }
0x32: {  	s10 =	sld [smem:$0x3FB7];
	_ =	sdelay $0x3  }
0x33: {  	p0 =	seq.s32 s10, $0x1;
	s10 =	sld [smem:$0x3FB9];
	_ =	sdelay $0x3  }
0x34: {  	[smem:$0x3FB9] =	sst s10  }
0x35: {  	s10 =	sld [smem:$0x3FB8];
	_ =	sdelay $0x3  }
0x36: {  	p1 =	seq.s32 s10, $0x1;
	s10 =	sld [smem:$0x3FB9];
	_ =	sdelay $0x3  }
0x37: {  	[smem:$0x3FB9] =	sst s10  }
0x38: {  	s10 =	sld [smem:$0x3FBA]  }
0x39: {  	_ = 	snop;
	(pc) =	sbr.ind lr, $3  }
0x3a: {  	_ = 	snop  }
0x3b: {  	_ = 	snop  }
0x3c: {  	p2 =	seq.s32 s10, $0x1;
	s10 =	sld [smem:$0x3FB9]  }
0x3d: {  	_ =	shalt  }
0x3e: {  	_ =	shalt  }
0x3f: {  	_ =	shalt  }
0x40: {  	_ =	shalt  }
0x41: {  	_ =	shalt  }
0x42: {  	_ =	shalt  }
0x43: {  	_ =	shalt  }
0x44: {  	_ =	shalt  }
0x45: {  	_ =	shalt  }
0x46: {  	_ =	shalt  }
0x47: {  	_ =	shalt  }
0x48: {  	_ =	shalt  }
0x49: {  	_ =	shalt  }
0x4a: {  	_ =	shalt  }
0x4b: {  	_ =	shalt  }
0x4c: {  	_ =	shalt  }
0x4d: {  	_ =	shalt  }
0x4e: {  	_ =	shalt  }
0x4f: {  	_ =	shalt  }
0x50: {  	_ =	shalt  }
0x51: {  	_ =	shalt  }
0x52: {  	_ =	shalt  }
0x53: {  	_ =	shalt  }
0x54: {  	_ =	shalt  }
0x55: {  	_ =	shalt  }
0x56: {  	_ =	shalt  }
0x57: {  	_ =	shalt  }
0x58: {  	_ =	shalt  }
0x59: {  	_ =	shalt  }
0x5a: {  	_ =	shalt  }
0x5b: {  	_ =	shalt  }
0x5c: {  	_ =	shalt  }
0x5d: {  	_ =	shalt  }
0x5e: {  	_ =	shalt  }
0x5f: {  	_ =	shalt  }
0x60: {  	_ =	shalt  }
0x61: {  	_ =	shalt  }
0x62: {  	_ =	shalt  }
0x63: {  	_ =	shalt  }
0x64: {  	_ =	shalt  }
0x65: {  	_ =	shalt  }
0x66: {  	_ =	shalt  }
0x67: {  	_ =	shalt  }
0x68: {  	_ =	shalt  }
0x69: {  	_ =	shalt  }
0x6a: {  	_ =	shalt  }
0x6b: {  	_ =	shalt  }
0x6c: {  	_ =	shalt  }
0x6d: {  	_ =	shalt  }
0x6e: {  	_ =	shalt  }
0x6f: {  	_ =	shalt  }
0x70: {  	_ =	shalt  }
0x71: {  	_ =	shalt  }
0x72: {  	_ =	shalt  }
0x73: {  	_ =	shalt  }
0x74: {  	_ =	shalt  }
0x75: {  	_ =	shalt  }
0x76: {  	_ =	shalt  }
0x77: {  	_ =	shalt  }
0x78: {  	_ =	shalt  }
0x79: {  	_ =	shalt  }
0x7a: {  	_ =	shalt  }
0x7b: {  	_ =	shalt  }
0x7c: {  	_ =	shalt  }
0x7d: {  	_ =	shalt  }
0x7e: {  	_ =	shalt  }
0x7f: {  	_ =	shalt  }
0x80: {  	_ =	shalt  }
0x81: {  	_ =	shalt  }
0x82: {  	_ =	shalt  }
0x83: {  	_ =	shalt  }
0x84: {  	_ =	shalt  }
0x85: {  	_ =	shalt  }
0x86: {  	_ =	shalt  }
0x87: {  	_ =	shalt  }
.Lfunc_end0:
.L_simem_size_0:
called_computation_lowered:
.L_overlay_start_0:
0x88: {  	s2 =	sld [smem:$0x3FD9]  }
0x89: {  	s3 =	sld [smem:$0x3FFE];
	_ =	sdelay $0x1  }
0x8a: {  	s1 =	srdreg.scid  }
0x8b: {  	s0 =	sand.u32 $0x1, s1  }
0x8c: {  	s18 =	sshll.u32 s0, $0xA;
	s2 =	sadd.s32 s3, s2  }
0x8d: {  	s2 =	sadd.s32 s2, s18  }
0x8e: {  	[smem:$0x3FC5] =	sst s2  }
0x8f: {  	_ = 	snop  }
0x90: {  	s2 =	sld [smem:$0x3FC9]  }
0x91: {  	s19 =	sld [smem:$0x3FC8]  }
0x92: {  	s4 =	sld [smem:$0x3FC7]  }
0x93: {  	s5 =	sld [smem:$0x3FD0];
	(tm) =	ssettm $0x1  }
0x94: {  	s6 =	sld [smem:$0x3FFB];
	_ =	sdelay $0x3  }
0x95: {  	_ =	strace s6  }
0x96: {  	s6 =	sld [smem:$0x3FFC];
	_ =	sdelay $0x3  }
0x97: {  	_ =	strace s6  }
0x98: {  	s6 =	sld [smem:$0x3FFD];
	_ =	sdelay $0x3  }
0x99: {  	_ =	strace s6  }
0x9a: {  	_ =	strace $0x8FFFFFFF  }
0x9b: {  	s20 =	sld [smem:$0x3FDB];
	_ =	sdelay $0x1  }
0x9c: {  	s7 =	simm.s32 $_scs_section_size  }
0x9d: {  	s8 =	simm.s32 $_size__tile_overlayer_lowered;
	s9 =	simm.s32 $_tile_overlayer_lowered  }
0x9e: {  	s23 =	simm.s32 $0x1BFF;
	s22 =	sshll.u32 s9, $0x1;
	s6 =	sadd.s32 s7, s20  }
0x9f: {  	s10 =	simm.s32 $0x0;
	s21 =	sshll.u32 s8, $0x1;
	s8 =	sadd.s32 s22, s6  }
0xa0: {  	[timem:s10], [sflag:s23] =	dma.local [hbm:s8], s21  }
0xa1: {  	_ =	swait.ge [sflag:s23], s21  }
0xa2: {  	s7 =	ssub.s32 $0x0, s21;
	[sflag:s23] =	ssyncset.done $0x0  }
0xa3: {  	[sflag:s23] =	ssyncadd.s32 s7;
	_ =	sdelay $0x1  }
0xa4: {  	s24 =	simm.s32 $0x1B8B  }
0xa5: {  	_ =	swait.ge [sflag:s24], $0x1  }
0xa6: {  	[sflag:s24] =	ssyncset.done $0x0  }
0xa7: {  	s25 =	simm.s32 $0x1B8E;
	[sflag:s24] =	ssyncadd.s32 $0xFFFFFFFF  }
0xa8: {  	s26 =	simm.s32 $execute0_lowered;
	[smem:$0x3FD2] =	sst s25  }
0xa9: {  	s7 =	sshll.u32 s26, $0x1;
	_ =	strace $0x80000046;
	[dreg:$0x1] =	wrdreg $0xFFFFFFFF  }
0xaa: {  	s28 =	simm.s32 $_size_execute0_lowered;
	s6 =	sadd.s32 s6, s7;
	[dreg:$0x0] =	wrdreg $0x0  }
0xab: {  	s7 =	sshll.u32 s28, $0x1;
	[dreg:$0x2] =	wrdreg s6  }
0xac: {  	[dreg:$0x3] =	wrdreg s7  }
0xad: {  	[dreg:$0x4] =	wrdreg $0xC0  }
0xae: {  	_ =	task [dreg:s10], $0x5FFFF  }
0xaf: {  	[dreg:$0x1] =	wrdreg $0xFFFFFFFF  }
0xb0: {  	[dreg:$0x0] =	wrdreg $0x60  }
0xb1: {  	[dreg:$0x2] =	wrdreg s2  }
0xb2: {  	[dreg:$0x3] =	wrdreg s19  }
0xb3: {  	[dreg:$0x4] =	wrdreg s4  }
0xb4: {  	[dreg:$0x5] =	wrdreg s5  }
0xb5: {  	[dreg:$0x6] =	wrdreg $0x9  }
0xb6: {  	_ =	task.clear_ibuf [dreg:s10], $0x7FFFF;
	_ =	strace $0x90000046  }
0xb7: {  	s29 =	simm.s32 $0x9;
	_ =	strace $0x80000048  }
0xb8: {  	_ =	swait.ge [sflag:s29], $0x1  }
0xb9: {  	[sflag:s29] =	ssyncadd.s32 $0xFFFFFFFF  }
0xba: {  	_ =	strace $0x90000048  }
0xbb: {  	_ =	sfence  }
0xbc: {  	s30 =	sld [smem:$0x0];
	_ =	sdelay $0x2  }
0xbd: {  	s31 =	sshll.u32 s1, $0xD;
	s1 =	sshrl.u32 s1, $0x2  }
0xbe: {  	s3 =	sand.u32 $0x4000, s31;
	s1 =	sadd.s32 s1, s30  }
0xbf: {  	s0 =	sor.u32 s3, s0;
	s1 =	sshll.u32 s1, $0x11  }
0xc0: {  	s0 =	sor.u32 s1, s0  }
0xc1: {  	s0 =	sadd.s32 $0x8F2B, s0  }
0xc2: {  	[sflag:s0] =	ssyncadd.remote.s32 $0x1  }
0xc3: {  	_ =	sfence.sel $0xFFFF  }
0xc4: {  	[dreg:$0x0] =	wrdreg $0xFFFFFFFF;
	(pc) =	sbr.abs _section_cstart, $3  }
0xc5: {  	[dreg:$0x1] =	wrdreg $0xFFFFFFFF  }
0xc6: {  	_ =	task.clear_ibuf [dreg:s10], $0x2FFFF;
	_ =	strace $0x9FFFFFFF  }
0xc7: {  	(tm) =	ssettm $0x7FFFFFFF  }
tec
execute0_lowered:
.L_overlay_start_1:
0x0: {  	(tag) =	ssettag $0x1  }
0x1: {  	s2 =	stileid.u32  }
0x2: {  	s8 =	rddreg [dreg:$0x0];
	p0 =	sgt.u32 s2, $0xB  }
.Ltmp0:
0x3: {  	s1 =	rddreg [dreg:$0x1];
	(pc) =	sbr.rel @p0 .LBB2_5-.Ltmp0, $4  }
0x4: {  	s7 =	rddreg [dreg:$0x2]  }
0x5: {  	s6 =	rddreg [dreg:$0x3];
	s3 =	simm.s32 $0x0  }
0x6: {  	[smem:$0x7FF] =	sst s3  }
0x7: {  	s0 =	rddreg [dreg:$0x4];
	_ =	strace $0x80000047  }
0x8: {  	s4 =	srdreg.scid;
	s31 =	sshll.u32 s2, $0x1  }
0x9: {  	s5 =	sadd.s32 $0x200, s1;
	s13 =	simm.s32 $0x880;
	s14 =	simm.s32 $0x1080  }
0xa: {  	s15 =	simm.s32 $0x1880;
	s16 =	simm.s32 $0x2080;
	s17 =	simm.s32 $0x2880  }
0xb: {  	s18 =	simm.s32 $0x2;
	s19 =	simm.s32 $0x1;
	s9 =	sand.u32 $0x1, s4  }
0xc: {  	s20 =	simm.s32 $0x0;
	s10 =	sor.u32 s9, s31;
	s9 =	ssub.s32 $0x2, s9  }
0xd: {  	s11 =	smul.u32 $0x600, s10;
	s12 =	sshrl.u32 s9, $0x1;
	s10 =	sshll.u32 s10, $0x1  }
0xe: {  	v2 =	vlaneseq.u32;
	s4 =	sadd.s32 $0x100, s1;
	s9 =	ssub.s32 s9, s12;
	s7 =	sadd.s32 s7, s10  }
0xf: {  	vm0 =	vmmov $0xffff;
	v1 =	vshrl.u32 v2, $0x3;
	s10 =	simm.s32 $0x3080;
	s12 =	simm.s32 $0x80;
	s6 =	sadd.s32 s6, s11  }
0x10: {  	v0 =	vand.u32 $0x7, v2;
	v2 =	vor.u32 $0x8, v2;
	v1 =	vmul.u32 $0x8, v1;
	s8 =	sadd.s32 s8, s11;
	s9 =	smax.u32 s9, $0x1;
	s11 =	simm.s32 $0x3  }
.LBB2_2:
0x11: {  	s21 =	simm.s32 $0x0  }
0x12: {  	[tilespmem:s10], [sflag:$0x2] =	stream.linear.gather [hbm4b:s8+s21], $0x3000, $0x38;
	[tilespmem:$0x6080] =	vst v63  }
0x13: {  	_ = 	snop  }
0x14: {  	[tilespmem:s21], [sflag:$0x3] =	stream.linear.gather [hbm4b:s7+s21], $0x10, $0x38;
	[tilespmem:$0x6080] =	vst v63  }
0x15: {  	_ =	swait.ge [sflag:s11], $0x10  }
0x16: {  	[sflag:s11] =	ssyncset.done $0x0  }
0x17: {  	[sflag:s11] =	ssyncadd.s32 $0xFFFFFFF0  }
0x18: {  	v3 =	vld [tilespmem:$0x0];
	_ =	sdelay $0x4  }
0x19: {  	v4 =	vshrl.u32 v3, $0x3  }
0x1a: {  	v4 =	vmul.u32 $0x30, v4  }
0x1b: {  	v3 =	vand.u32 $0x7, v3  }
0x1c: {  	v3 =	vor.u32 v3, v4  }
0x1d: {  	v4 =	vperm.xlane v3, v0;
	_ =	sdelay $0x1  }
0x1e: {  	v4 =	vadd.s32 v1, v4;
	_ =	sdelay $0x3  }
0x1f: {  	v3 =	vperm.xlane v3, v2  }
0x20: {  	[tilespmem:s12], [sflag:$0x1] =	stream.indirect_vreg.gather [hbm4b:s1+s21], $0x80, v4, vm0, $0xb8;
	[tilespmem:$0x6080] =	vst v63  }
0x21: {  	v3 =	vadd.s32 v1, v3  }
0x22: {  	[tilespmem:s13], [sflag:$0x1] =	stream.indirect_vreg.gather [hbm4b:s4+s21], $0x80, v4, vm0, $0xb8;
	[tilespmem:$0x6080] =	vst v63  }
0x23: {  	_ = 	snop  }
0x24: {  	[tilespmem:s14], [sflag:$0x1] =	stream.indirect_vreg.gather [hbm4b:s5+s21], $0x80, v4, vm0, $0xb8;
	[tilespmem:$0x6080] =	vst v63  }
0x25: {  	_ = 	snop  }
0x26: {  	[tilespmem:s15], [sflag:$0x1] =	stream.indirect_vreg.gather [hbm4b:s1+s21], $0x80, v3, vm0, $0xb8;
	[tilespmem:$0x6080] =	vst v63  }
0x27: {  	_ = 	snop  }
0x28: {  	[tilespmem:s16], [sflag:$0x1] =	stream.indirect_vreg.gather [hbm4b:s4+s21], $0x80, v3, vm0, $0xb8;
	[tilespmem:$0x6080] =	vst v63  }
0x29: {  	_ = 	snop  }
0x2a: {  	[tilespmem:s17], [sflag:$0x1] =	stream.indirect_vreg.gather [hbm4b:s5+s21], $0x80, v3, vm0, $0xb8;
	[tilespmem:$0x6080] =	vst v63  }
0x2b: {  	_ =	swait.ge [sflag:s18], $0x3000  }
0x2c: {  	[sflag:s18] =	ssyncset.done $0x0  }
0x2d: {  	[sflag:s18] =	ssyncadd.s32 $0xFFFFD000  }
0x2e: {  	_ =	swait.ge [sflag:s19], $0x3000  }
0x2f: {  	s22 =	sand.u32 $0x70, s21;
	s23 =	sand.u32 $0x1C00, s21;
	[sflag:s19] =	ssyncset.done $0x0  }
0x30: {  	s22 =	sor.u32 s22, s23;
	[sflag:s19] =	ssyncadd.s32 $0xFFFFD000  }
0x31: {  	v3 =	vld [tilespmem:s22+$0x80]  }
0x32: {  	v4 =	vld [tilespmem:s22+$0x100];
	_ =	sdelay $0x3  }
0x33: {  	[tilespmem:s22+$0x3080] =	vst.add.f32.msk $0xffff, v3  }
0x34: {  	[tilespmem:s22+$0x3100] =	vst.add.f32.msk $0xffff, v4  }
0x35: {  	v3 =	vld [tilespmem:s22+$0x180]  }
0x36: {  	v4 =	vld [tilespmem:s22+$0x200]  }
0x37: {  	s24 =	simm.s32 $0x10;
	s23 =	simm.s32 $0x0;
	v5 =	vld [tilespmem:s22+$0x280]  }
.LBB2_3:
0x38: {  	p0 =	sne.s32 s24, $0x2F0;
	v6 =	vld [tilespmem:s22+$0x300]  }
0x39: {  	v7 =	vld [tilespmem:s22+$0x380]  }
0x3a: {  	[tilespmem:s22+$0x3180] =	vst.add.f32.msk $0xffff, v3  }
0x3b: {  	[tilespmem:s22+$0x3200] =	vst.add.f32.msk $0xffff, v4  }
0x3c: {  	[tilespmem:s22+$0x3280] =	vst.add.f32.msk $0xffff, v5  }
0x3d: {  	s25 =	sor.u32 s23, s21;
	s21 =	smov.u32 s24;
	[tilespmem:s22+$0x3300] =	vst.add.f32.msk $0xffff, v6  }
0x3e: {  	s25 =	sor.u32 $0x380, s25;
	[tilespmem:s22+$0x3380] =	vst.add.f32.msk $0xffff, v7  }
0x3f: {  	v3 =	vld [tilespmem:s25+$0x80];
	_ =	sdelay $0x4  }
0x40: {  	[tilespmem:s25+$0x3080] =	vst.add.f32.msk $0xffff, v3  }
0x41: {  	v3 =	vld [tilespmem:s22+$0x1880]  }
0x42: {  	v4 =	vld [tilespmem:s22+$0x1900]  }
0x43: {  	v5 =	vld [tilespmem:s22+$0x1980]  }
0x44: {  	v6 =	vld [tilespmem:s22+$0x1A00]  }
0x45: {  	v7 =	vld [tilespmem:s22+$0x1A80]  }
0x46: {  	[tilespmem:s22+$0x4880] =	vst.add.f32.msk $0xffff, v3  }
0x47: {  	[tilespmem:s22+$0x4900] =	vst.add.f32.msk $0xffff, v4  }
0x48: {  	[tilespmem:s22+$0x4980] =	vst.add.f32.msk $0xffff, v5  }
0x49: {  	[tilespmem:s22+$0x4A00] =	vst.add.f32.msk $0xffff, v6  }
0x4a: {  	[tilespmem:s22+$0x4A80] =	vst.add.f32.msk $0xffff, v7  }
0x4b: {  	s23 =	sadd.s32 $0x80, s23;
	v3 =	vld [tilespmem:s22+$0x1B00]  }
0x4c: {  	s26 =	sand.u32 $0x1C00, s23;
	s25 =	sand.u32 $0x70, s24;
	v4 =	vld [tilespmem:s22+$0x1B80]  }
0x4d: {  	s25 =	sor.u32 s25, s26;
	v5 =	vld [tilespmem:s22+$0x1C00]  }
0x4e: {  	v6 =	vld [tilespmem:s25+$0x80]  }
0x4f: {  	v7 =	vld [tilespmem:s25+$0x100]  }
0x50: {  	[tilespmem:s22+$0x4B00] =	vst.add.f32.msk $0xffff, v3  }
0x51: {  	[tilespmem:s22+$0x4B80] =	vst.add.f32.msk $0xffff, v4  }
0x52: {  	[tilespmem:s22+$0x4C00] =	vst.add.f32.msk $0xffff, v5;
	s22 =	smov.u32 s25  }
.Ltmp1:
0x53: {  	[tilespmem:s22+$0x3080] =	vst.add.f32.msk $0xffff, v6;
	(pc) =	sbr.rel @p0 .LBB2_3-.Ltmp1, $4  }
0x54: {  	[tilespmem:s22+$0x3100] =	vst.add.f32.msk $0xffff, v7  }
0x55: {  	v3 =	vld [tilespmem:s22+$0x180]  }
0x56: {  	v4 =	vld [tilespmem:s22+$0x200]  }
0x57: {  	s24 =	sadd.s32 $0x10, s24;
	v5 =	vld [tilespmem:s22+$0x280]  }
0x58: {  	v6 =	vld [tilespmem:s22+$0x300]  }
0x59: {  	v7 =	vld [tilespmem:s22+$0x380]  }
0x5a: {  	[tilespmem:s22+$0x3180] =	vst.add.f32.msk $0xffff, v3  }
0x5b: {  	[tilespmem:s22+$0x3200] =	vst.add.f32.msk $0xffff, v4  }
0x5c: {  	[tilespmem:s22+$0x3280] =	vst.add.f32.msk $0xffff, v5  }
0x5d: {  	s21 =	sor.u32 s23, s21;
	[tilespmem:s22+$0x3300] =	vst.add.f32.msk $0xffff, v6  }
0x5e: {  	s21 =	sor.u32 $0x380, s21;
	[tilespmem:s22+$0x3380] =	vst.add.f32.msk $0xffff, v7  }
0x5f: {  	v3 =	vld [tilespmem:s21+$0x80];
	_ =	sdelay $0x4  }
0x60: {  	[tilespmem:s21+$0x3080] =	vst.add.f32.msk $0xffff, v3  }
0x61: {  	v3 =	vld [tilespmem:s22+$0x1880]  }
0x62: {  	v58 =	vld [tilespmem:s22+$0x1900]  }
0x63: {  	v59 =	vld [tilespmem:s22+$0x1980]  }
0x64: {  	v60 =	vld [tilespmem:s22+$0x1A00]  }
0x65: {  	v61 =	vld [tilespmem:s22+$0x1A80]  }
0x66: {  	v62 =	vld [tilespmem:s22+$0x1B80]  }
0x67: {  	v63 =	vld [tilespmem:s22+$0x1C00]  }
0x68: {  	[tilespmem:s22+$0x4880] =	vst.add.f32.msk $0xffff, v3  }
0x69: {  	[tilespmem:s22+$0x4900] =	vst.add.f32.msk $0xffff, v58  }
0x6a: {  	[tilespmem:s22+$0x4980] =	vst.add.f32.msk $0xffff, v59  }
0x6b: {  	v3 =	vld [tilespmem:s22+$0x1B00]  }
0x6c: {  	[tilespmem:s22+$0x4A00] =	vst.add.f32.msk $0xffff, v60  }
0x6d: {  	[tilespmem:s22+$0x4A80] =	vst.add.f32.msk $0xffff, v61  }
0x6e: {  	s20 =	sadd.s32 $0x1, s20;
	[tilespmem:s22+$0x4B80] =	vst.add.f32.msk $0xffff, v62  }
0x6f: {  	p0 =	sne.s32 s20, s9;
	[tilespmem:s22+$0x4C00] =	vst.add.f32.msk $0xffff, v63  }
.Ltmp2:
0x70: {  	[tilespmem:s22+$0x4B00] =	vst.add.f32.msk $0xffff, v3;
	(pc) =	sbr.rel @p0 .LBB2_2-.Ltmp2, $4  }
0x71: {  	[hbm4b:s6+s3] =	stream.linear.scatter [tilespmem:s10], [sflag:$0x3], $0x3000, $0x38;
	[tilespmem:$0x6080] =	vst v63  }
0x72: {  	_ =	swait.ge [sflag:s11], $0x3000  }
0x73: {  	[sflag:s11] =	ssyncset.done $0x0  }
0x74: {  	[sflag:s11] =	ssyncadd.s32 $0xFFFFD000  }
.LBB2_5:
0x75: {  	_ =	sfence.sel $0x180000  }
0x76: {  	[bflag:$0x0] =	sbarrier.arrive $0xFFFF  }
0x77: {  	p0 =	sne.s32 s2, $0x0;
	_ =	strace $0x90000047  }
0x78: {  	s0 =	sadd.s32 @!p0 $0x100000, s0;
	[bflag:$0x2] =	sbarrier.arrive $0xFFFF  }
0x79: {  	[sflag:s0] =	ssyncadd.tile.s32 @!p0 $0x1;
	_ =	shalt  }
.Lfunc_end2:
_tile_overlayer_lowered:
.L_overlay_start_2:
0x7a: {  	(tag) =	ssettag $0x2  }
0x7b: {  	s0 =	rddreg [dreg:$0x0];
	s2 =	stileid.u32  }
0x7c: {  	s1 =	rddreg [dreg:$0x1];
	p0 =	sne.s32 s2, $0x0  }
0x7d: {  	s3 =	rddreg [dreg:$0x2];
	[bflag:$0x3] =	sbarrier.arrive $0xFFFF;
	s2 =	simm.s32 @!p0 $0x1C03  }
0x7e: {  	[timem:s3], [sflag:s2] =	dma.local @!p0 [hbm:s0], s1  }
0x7f: {  	s0 =	simm.s32 @!p0 $0x3  }
0x80: {  	_ =	swait.ge @!p0 [sflag:s0], s1  }
0x81: {  	s1 =	ssub.s32 @!p0 $0x0, s1;
	[sflag:s0] =	ssyncset.done @!p0 $0x0  }
0x82: {  	[sflag:s0] =	ssyncadd.s32 @!p0 s1  }
0x83: {  	[bflag:$0x3] =	sbarrier.arrive $0xFFFF  }
0x84: {  	_ =	shalt  }

</sc_bundles>
